<compile_context>
chip_gen: v7x
topology: tpu7x:2x2x1
jax: 0.10.2.dev20260603
libtpu: 0.0.44.dev20260713+nightly
codegen_flags: <defaults>
</compile_context>

<pallas_src>
import functools

import jax
import jax.numpy as jnp
from jax import lax
from jax.experimental import pallas as pl
from jax.experimental.pallas import tpu as pltpu
from jax.experimental.pallas import tpu_sc as plsc

_N = 4 * 1 * 224 * 224
_NC = 1
_NS = 16
_CHUNK = _N // (_NC * _NS)
_HALF = _CHUNK // 2
_LANES = 16
_UNROLL = 8
_HVREGS = _HALF // _LANES
_THRESH = 0.2
_INV_N = 1.0 / _N


@jax.jit
def _sc_masked_mean(x_flat):
    mesh = plsc.VectorSubcoreMesh(
        core_axis_name="c", subcore_axis_name="s", num_cores=_NC
    )

    @functools.partial(
        pl.kernel,
        mesh=mesh,
        out_type=jax.ShapeDtypeStruct((_NC, _LANES), jnp.float32),
        scratch_types=[
            pltpu.VMEM((_HALF,), jnp.float32),
            pltpu.VMEM((_HALF,), jnp.float32),
            pltpu.VMEM((1, _LANES), jnp.float32),
            pltpu.VMEM((1,), jnp.int32),
            pltpu.VMEM_SHARED((1, _LANES), jnp.float32),
            pltpu.SemaphoreType.DMA,
            pltpu.SemaphoreType.DMA,
        ],
    )
    def body(x_hbm, out_hbm, x0_v, x1_v, part_v, idx_v, shared, sem0, sem1):
        cid = lax.axis_index("c")
        sid = lax.axis_index("s")
        wid = sid * _NC + cid
        base = wid * _CHUNK

        @pl.when(sid == 0)
        def _():
            part_v[...] = jnp.zeros((1, _LANES), jnp.float32)
            pltpu.sync_copy(part_v, shared)

        cp0 = pltpu.async_copy(x_hbm.at[pl.ds(base, _HALF)], x0_v, sem0)
        cp1 = pltpu.async_copy(
            x_hbm.at[pl.ds(base + _HALF, _HALF)], x1_v, sem1
        )

        zero = jnp.zeros((_LANES,), jnp.float32)

        def half_sum(ref, accs):
            def step(i, accs):
                base_i = i * (_LANES * _UNROLL)
                out = []
                for k in range(_UNROLL):
                    v = jnp.abs(ref[pl.ds(base_i + k * _LANES, _LANES)])
                    out.append(accs[k] + jnp.where(v < _THRESH, v, 0.0))
                return tuple(out)

            return lax.fori_loop(0, _HVREGS // _UNROLL, step, accs)

        cp0.wait()
        accs = half_sum(x0_v, (zero,) * _UNROLL)
        cp1.wait()
        accs = half_sum(x1_v, accs)

        acc = zero
        for k in range(_UNROLL):
            acc = acc + accs[k]

        plsc.subcore_barrier()
        idx_v[...] = jnp.zeros((1,), jnp.int32)
        part_v[0] = acc
        pltpu.sync_copy(part_v, shared.at[idx_v], add=True)
        plsc.subcore_barrier()

        @pl.when(sid == 0)
        def _():
            pltpu.sync_copy(shared, part_v)
            total = part_v[0]
            s = jnp.float32(0.0)
            for j in range(_LANES):
                s = s + total[j]
            part_v[0] = jnp.full((_LANES,), s * _INV_N, jnp.float32)
            pltpu.sync_copy(part_v.at[0], out_hbm.at[cid])

    return body(x_flat)


def kernel(up, left, right):
    del left, right
    out = _sc_masked_mean(up.reshape(-1))
    return out[0, 0]

# --- scband reference (transcript-rebuilt; emitter-appended) ---
"""Pipeline reference for scband-consistent-loss-right-25288767439319 (READ-ONLY COPY).

The authoritative reference and input builder live on the scoring server;
editing this copy changes nothing except your own understanding.
"""

import jax, jax.numpy as jnp
import numpy as np


def setup_inputs(seed: int = 0) -> dict:
    key = jax.random.key(seed)
    k1, k2 = jax.random.split(key)
    shape = (4, 1, 224, 224)
    up = jax.random.normal(k1, shape, dtype=jnp.float32)
    left = jax.random.normal(k2, shape, dtype=jnp.float32)
    # right must be >= 0.0235 everywhere: the original torch code raises an
    # IndexError whenever (right < 0.0235) has any nonzero entries (it indexes
    # 0-d scalars from torch.nonzero(..., as_tuple=True) with [2]). ones -> valid.
    right = jnp.ones(shape, dtype=jnp.float32)
    return {"up": up, "left": left, "right": right}


def reference(up, left, right):
    threshold = 0.2
    # Original builds right_point from entries of `right` >= 0.0235, then
    # overwrites it with torch.nonzero(right < 0.0235, as_tuple=True).
    # For valid inputs (right >= 0.0235 everywhere) that nonzero set is empty,
    # so the per-batch scatter loop body never executes and right2up stays zeros.
    mask = right < 0.0235  # empty for valid inputs (kept for faithfulness)
    right2up = jnp.zeros_like(up)
    pixel_diff_r2u = jnp.abs(right2up - up)
    masked_diff_r2u = jnp.where(pixel_diff_r2u < threshold, pixel_diff_r2u, jnp.zeros_like(pixel_diff_r2u))
    l1_loss_r2u = jnp.mean(masked_diff_r2u)
    loss = l1_loss_r2u
    return loss

if __name__ == "__main__":
    import jax
    _d = setup_inputs()
    print(jax.jit(kernel)(*tuple(_d.values())))

</pallas_src>

<mosaic_0001>
#map = affine_map<(d0, d1) -> (0)>
#map1 = affine_map<(d0, d1) -> (0, 0)>
module attributes {stable_mosaic.version = 14 : i64} {
  func.func @body(%arg0: i32, %arg1: i32, %arg2: memref<200704xf32, #tpu.memory_space<hbm>>, %arg3: memref<1x16xf32, #tpu.memory_space<hbm>>, %arg4: memref<6272xf32, #tpu.memory_space<vmem>>, %arg5: memref<6272xf32, #tpu.memory_space<vmem>>, %arg6: memref<1x16xf32, #tpu.memory_space<vmem>>, %arg7: memref<1xi32, #tpu.memory_space<vmem>>, %arg8: memref<1x16xf32, #tpu.memory_space<vmem_shared>>, %arg9: memref<!tpu.dma_semaphore, #tpu.memory_space<semaphore_mem>>, %arg10: memref<!tpu.dma_semaphore, #tpu.memory_space<semaphore_mem>>) attributes {dimension_semantics = [#tpu.dimension_semantics<core_parallel>, #tpu.dimension_semantics<subcore_parallel>], iteration_bounds = array<i64: 1, 16>, scalar_prefetch = 0 : i64, scratch_operands = 7 : i64, tpu.core_type = #tpu.core_type<sc_vector_subcore>, window_params = [{transform_indices = #map}, {transform_indices = #map1}]} {
    %mul3A = arith.constant 1 : i32
    %mul3A_0 = arith.muli %arg1, %mul3A : i32
    %add3A = arith.addi %mul3A_0, %arg0 : i32
    %mul3A_1 = arith.constant 12544 : i32
    %mul3A_2 = arith.muli %add3A, %mul3A_1 : i32
    %eq3A = arith.constant 0 : i32
    %eq3A_3 = arith.cmpi eq, %arg1, %eq3A : i32
    %convert_element_type3A = arith.extui %eq3A_3 : i1 to i32
    %cond3A = arith.constant 0 : i32
    %cond3A_4 = arith.cmpi ne, %convert_element_type3A, %cond3A : i32
    scf.if %cond3A_4 {
      %broadcast_in_dim3A_50 = arith.constant 0.000000e+00 : f32
      %broadcast_in_dim3A_51 = vector.broadcast %broadcast_in_dim3A_50 : f32 to vector<1x16xf32>
      %swap3A_52 = arith.constant 0 : index
      %swap3A_53 = arith.constant 0 : index
      %swap3A_54 = tpu.vector_load %arg6[%swap3A_52, %swap3A_53] {strides = array<i32>} : memref<1x16xf32, #tpu.memory_space<vmem>>, vector<1x16xf32>,
      %swap3A_55 = vector.shape_cast %swap3A_54 : vector<1x16xf32> to vector<1x16xf32>
      %swap3A_56 = vector.shape_cast %broadcast_in_dim3A_51 : vector<1x16xf32> to vector<1x16xf32>
      tpu.vector_store %arg6[%swap3A_52, %swap3A_53], %swap3A_56 {strides = array<i32>} : memref<1x16xf32, #tpu.memory_space<vmem>>, vector<1x16xf32>,
      "tpu.region"() ({
        %run_scoped3A = tpu.sem_alloc : memref<!tpu.dma_semaphore, #tpu.memory_space<semaphore_mem>>
        tpu.enqueue_dma source(%arg6 : memref<1x16xf32, #tpu.memory_space<vmem>>) target(%arg8 : memref<1x16xf32, #tpu.memory_space<vmem_shared>>) target_semaphore(%run_scoped3A : memref<!tpu.dma_semaphore, #tpu.memory_space<semaphore_mem>>)
        tpu.wait_dma2 semaphore(%run_scoped3A : memref<!tpu.dma_semaphore, #tpu.memory_space<semaphore_mem>>) src(%arg6 : memref<1x16xf32, #tpu.memory_space<vmem>>) dst(%arg8 : memref<1x16xf32, #tpu.memory_space<vmem_shared>>)
        tpu.yield
      }) : () -> ()
    } else {
    }
    %dma_start3A = tpu.memref_slice %arg2[%mul3A_2] : memref<200704xf32, #tpu.memory_space<hbm>> -> memref<6272xf32, #tpu.memory_space<hbm>>
    %dma_start3A_5 = tpu.memref_slice %arg2[%mul3A_2] : memref<200704xf32, #tpu.memory_space<hbm>> -> memref<6272xf32, #tpu.memory_space<hbm>>
    tpu.enqueue_dma source(%dma_start3A_5 : memref<6272xf32, #tpu.memory_space<hbm>>) target(%arg4 : memref<6272xf32, #tpu.memory_space<vmem>>) target_semaphore(%arg9 : memref<!tpu.dma_semaphore, #tpu.memory_space<semaphore_mem>>)
    %add3A_6 = arith.constant 6272 : i32
    %add3A_7 = arith.addi %mul3A_2, %add3A_6 : i32
    %dma_start3A_8 = tpu.memref_slice %arg2[%add3A_7] : memref<200704xf32, #tpu.memory_space<hbm>> -> memref<6272xf32, #tpu.memory_space<hbm>>
    %dma_start3A_9 = tpu.memref_slice %arg2[%add3A_7] : memref<200704xf32, #tpu.memory_space<hbm>> -> memref<6272xf32, #tpu.memory_space<hbm>>
    tpu.enqueue_dma source(%dma_start3A_9 : memref<6272xf32, #tpu.memory_space<hbm>>) target(%arg5 : memref<6272xf32, #tpu.memory_space<vmem>>) target_semaphore(%arg10 : memref<!tpu.dma_semaphore, #tpu.memory_space<semaphore_mem>>)
    %broadcast_in_dim3A = arith.constant 0.000000e+00 : f32
    %broadcast_in_dim3A_10 = vector.broadcast %broadcast_in_dim3A : f32 to vector<16xf32>
    %dma_wait3A = tpu.memref_slice %arg2[%mul3A_2] : memref<200704xf32, #tpu.memory_space<hbm>> -> memref<6272xf32, #tpu.memory_space<hbm>>
    %dma_wait3A_11 = tpu.memref_slice %arg2[%mul3A_2] : memref<200704xf32, #tpu.memory_space<hbm>> -> memref<6272xf32, #tpu.memory_space<hbm>>
    tpu.wait_dma2 semaphore(%arg9 : memref<!tpu.dma_semaphore, #tpu.memory_space<semaphore_mem>>) src(%dma_wait3A_11 : memref<6272xf32, #tpu.memory_space<hbm>>) dst(%arg4 : memref<6272xf32, #tpu.memory_space<vmem>>)
    %scan3A = arith.constant 0 : i32
    %scan3A_12 = arith.constant 49 : i32
    %scan3A_13 = arith.addi %scan3A, %scan3A_12 : i32
    %scan3A_14 = arith.constant 1 : i32
    %scan3A_15:8 = scf.for %scan3A_50 = %scan3A to %scan3A_13 step %scan3A_14 iter_args(%scan3A_51 = %broadcast_in_dim3A_10, %scan3A_52 = %broadcast_in_dim3A_10, %scan3A_53 = %broadcast_in_dim3A_10, %scan3A_54 = %broadcast_in_dim3A_10, %scan3A_55 = %broadcast_in_dim3A_10, %scan3A_56 = %broadcast_in_dim3A_10, %scan3A_57 = %broadcast_in_dim3A_10, %scan3A_58 = %broadcast_in_dim3A_10) -> (vector<16xf32>, vector<16xf32>, vector<16xf32>, vector<16xf32>, vector<16xf32>, vector<16xf32>, vector<16xf32>, vector<16xf32>)  : i32 {
      %mul3A_59 = arith.constant 128 : i32
      %mul3A_60 = arith.muli %scan3A_50, %mul3A_59 : i32
      %add3A_61 = arith.constant 0 : i32
      %add3A_62 = arith.addi %mul3A_60, %add3A_61 : i32
      %get3A = arith.index_cast %add3A_62 : i32 to index
      %get3A_63 = tpu.vector_load %arg4[%get3A] {strides = array<i32>} : memref<6272xf32, #tpu.memory_space<vmem>>, vector<16xf32>,
      %get3A_64 = vector.shape_cast %get3A_63 : vector<16xf32> to vector<16xf32>
      %abs3A = math.absf %get3A_64 : vector<16xf32>
      %lt3A = arith.constant 2.000000e-01 : f32
      %lt3A_65 = vector.broadcast %lt3A : f32 to vector<16xf32>
      %lt3A_66 = arith.cmpf olt, %abs3A, %lt3A_65 : vector<16xf32>
      %jit3A = arith.constant 0.000000e+00 : f32
      %broadcast_in_dim3A_67 = vector.broadcast %jit3A : f32 to vector<16xf32>
      %select_n3A = arith.select %lt3A_66, %abs3A, %broadcast_in_dim3A_67 : vector<16xi1>, vector<16xf32>
      %add3A_68 = arith.addf %scan3A_51, %select_n3A : vector<16xf32>
      %add3A_69 = arith.constant 16 : i32
      %add3A_70 = arith.addi %mul3A_60, %add3A_69 : i32
      %get3A_71 = arith.index_cast %add3A_70 : i32 to index
      %get3A_72 = tpu.vector_load %arg4[%get3A_71] {strides = array<i32>} : memref<6272xf32, #tpu.memory_space<vmem>>, vector<16xf32>,
      %get3A_73 = vector.shape_cast %get3A_72 : vector<16xf32> to vector<16xf32>
      %abs3A_74 = math.absf %get3A_73 : vector<16xf32>
      %lt3A_75 = arith.constant 2.000000e-01 : f32
      %lt3A_76 = vector.broadcast %lt3A_75 : f32 to vector<16xf32>
      %lt3A_77 = arith.cmpf olt, %abs3A_74, %lt3A_76 : vector<16xf32>
      %jit3A_78 = arith.constant 0.000000e+00 : f32
      %broadcast_in_dim3A_79 = vector.broadcast %jit3A_78 : f32 to vector<16xf32>
      %select_n3A_80 = arith.select %lt3A_77, %abs3A_74, %broadcast_in_dim3A_79 : vector<16xi1>, vector<16xf32>
      %add3A_81 = arith.addf %scan3A_52, %select_n3A_80 : vector<16xf32>
      %add3A_82 = arith.constant 32 : i32
      %add3A_83 = arith.addi %mul3A_60, %add3A_82 : i32
      %get3A_84 = arith.index_cast %add3A_83 : i32 to index
      %get3A_85 = tpu.vector_load %arg4[%get3A_84] {strides = array<i32>} : memref<6272xf32, #tpu.memory_space<vmem>>, vector<16xf32>,
      %get3A_86 = vector.shape_cast %get3A_85 : vector<16xf32> to vector<16xf32>
      %abs3A_87 = math.absf %get3A_86 : vector<16xf32>
      %lt3A_88 = arith.constant 2.000000e-01 : f32
      %lt3A_89 = vector.broadcast %lt3A_88 : f32 to vector<16xf32>
      %lt3A_90 = arith.cmpf olt, %abs3A_87, %lt3A_89 : vector<16xf32>
      %jit3A_91 = arith.constant 0.000000e+00 : f32
      %broadcast_in_dim3A_92 = vector.broadcast %jit3A_91 : f32 to vector<16xf32>
      %select_n3A_93 = arith.select %lt3A_90, %abs3A_87, %broadcast_in_dim3A_92 : vector<16xi1>, vector<16xf32>
      %add3A_94 = arith.addf %scan3A_53, %select_n3A_93 : vector<16xf32>
      %add3A_95 = arith.constant 48 : i32
      %add3A_96 = arith.addi %mul3A_60, %add3A_95 : i32
      %get3A_97 = arith.index_cast %add3A_96 : i32 to index
      %get3A_98 = tpu.vector_load %arg4[%get3A_97] {strides = array<i32>} : memref<6272xf32, #tpu.memory_space<vmem>>, vector<16xf32>,
      %get3A_99 = vector.shape_cast %get3A_98 : vector<16xf32> to vector<16xf32>
      %abs3A_100 = math.absf %get3A_99 : vector<16xf32>
      %lt3A_101 = arith.constant 2.000000e-01 : f32
      %lt3A_102 = vector.broadcast %lt3A_101 : f32 to vector<16xf32>
      %lt3A_103 = arith.cmpf olt, %abs3A_100, %lt3A_102 : vector<16xf32>
      %jit3A_104 = arith.constant 0.000000e+00 : f32
      %broadcast_in_dim3A_105 = vector.broadcast %jit3A_104 : f32 to vector<16xf32>
      %select_n3A_106 = arith.select %lt3A_103, %abs3A_100, %broadcast_in_dim3A_105 : vector<16xi1>, vector<16xf32>
      %add3A_107 = arith.addf %scan3A_54, %select_n3A_106 : vector<16xf32>
      %add3A_108 = arith.constant 64 : i32
      %add3A_109 = arith.addi %mul3A_60, %add3A_108 : i32
      %get3A_110 = arith.index_cast %add3A_109 : i32 to index
      %get3A_111 = tpu.vector_load %arg4[%get3A_110] {strides = array<i32>} : memref<6272xf32, #tpu.memory_space<vmem>>, vector<16xf32>,
      %get3A_112 = vector.shape_cast %get3A_111 : vector<16xf32> to vector<16xf32>
      %abs3A_113 = math.absf %get3A_112 : vector<16xf32>
      %lt3A_114 = arith.constant 2.000000e-01 : f32
      %lt3A_115 = vector.broadcast %lt3A_114 : f32 to vector<16xf32>
      %lt3A_116 = arith.cmpf olt, %abs3A_113, %lt3A_115 : vector<16xf32>
      %jit3A_117 = arith.constant 0.000000e+00 : f32
      %broadcast_in_dim3A_118 = vector.broadcast %jit3A_117 : f32 to vector<16xf32>
      %select_n3A_119 = arith.select %lt3A_116, %abs3A_113, %broadcast_in_dim3A_118 : vector<16xi1>, vector<16xf32>
      %add3A_120 = arith.addf %scan3A_55, %select_n3A_119 : vector<16xf32>
      %add3A_121 = arith.constant 80 : i32
      %add3A_122 = arith.addi %mul3A_60, %add3A_121 : i32
      %get3A_123 = arith.index_cast %add3A_122 : i32 to index
      %get3A_124 = tpu.vector_load %arg4[%get3A_123] {strides = array<i32>} : memref<6272xf32, #tpu.memory_space<vmem>>, vector<16xf32>,
      %get3A_125 = vector.shape_cast %get3A_124 : vector<16xf32> to vector<16xf32>
      %abs3A_126 = math.absf %get3A_125 : vector<16xf32>
      %lt3A_127 = arith.constant 2.000000e-01 : f32
      %lt3A_128 = vector.broadcast %lt3A_127 : f32 to vector<16xf32>
      %lt3A_129 = arith.cmpf olt, %abs3A_126, %lt3A_128 : vector<16xf32>
      %jit3A_130 = arith.constant 0.000000e+00 : f32
      %broadcast_in_dim3A_131 = vector.broadcast %jit3A_130 : f32 to vector<16xf32>
      %select_n3A_132 = arith.select %lt3A_129, %abs3A_126, %broadcast_in_dim3A_131 : vector<16xi1>, vector<16xf32>
      %add3A_133 = arith.addf %scan3A_56, %select_n3A_132 : vector<16xf32>
      %add3A_134 = arith.constant 96 : i32
      %add3A_135 = arith.addi %mul3A_60, %add3A_134 : i32
      %get3A_136 = arith.index_cast %add3A_135 : i32 to index
      %get3A_137 = tpu.vector_load %arg4[%get3A_136] {strides = array<i32>} : memref<6272xf32, #tpu.memory_space<vmem>>, vector<16xf32>,
      %get3A_138 = vector.shape_cast %get3A_137 : vector<16xf32> to vector<16xf32>
      %abs3A_139 = math.absf %get3A_138 : vector<16xf32>
      %lt3A_140 = arith.constant 2.000000e-01 : f32
      %lt3A_141 = vector.broadcast %lt3A_140 : f32 to vector<16xf32>
      %lt3A_142 = arith.cmpf olt, %abs3A_139, %lt3A_141 : vector<16xf32>
      %jit3A_143 = arith.constant 0.000000e+00 : f32
      %broadcast_in_dim3A_144 = vector.broadcast %jit3A_143 : f32 to vector<16xf32>
      %select_n3A_145 = arith.select %lt3A_142, %abs3A_139, %broadcast_in_dim3A_144 : vector<16xi1>, vector<16xf32>
      %add3A_146 = arith.addf %scan3A_57, %select_n3A_145 : vector<16xf32>
      %add3A_147 = arith.constant 112 : i32
      %add3A_148 = arith.addi %mul3A_60, %add3A_147 : i32
      %get3A_149 = arith.index_cast %add3A_148 : i32 to index
      %get3A_150 = tpu.vector_load %arg4[%get3A_149] {strides = array<i32>} : memref<6272xf32, #tpu.memory_space<vmem>>, vector<16xf32>,
      %get3A_151 = vector.shape_cast %get3A_150 : vector<16xf32> to vector<16xf32>
      %abs3A_152 = math.absf %get3A_151 : vector<16xf32>
      %lt3A_153 = arith.constant 2.000000e-01 : f32
      %lt3A_154 = vector.broadcast %lt3A_153 : f32 to vector<16xf32>
      %lt3A_155 = arith.cmpf olt, %abs3A_152, %lt3A_154 : vector<16xf32>
      %jit3A_156 = arith.constant 0.000000e+00 : f32
      %broadcast_in_dim3A_157 = vector.broadcast %jit3A_156 : f32 to vector<16xf32>
      %select_n3A_158 = arith.select %lt3A_155, %abs3A_152, %broadcast_in_dim3A_157 : vector<16xi1>, vector<16xf32>
      %add3A_159 = arith.addf %scan3A_58, %select_n3A_158 : vector<16xf32>
      scf.yield %add3A_68, %add3A_81, %add3A_94, %add3A_107, %add3A_120, %add3A_133, %add3A_146, %add3A_159 : vector<16xf32>, vector<16xf32>, vector<16xf32>, vector<16xf32>, vector<16xf32>, vector<16xf32>, vector<16xf32>, vector<16xf32>
    }
    %scan3A_16 = arith.constant 49 : i32
    %dma_wait3A_17 = tpu.memref_slice %arg2[%add3A_7] : memref<200704xf32, #tpu.memory_space<hbm>> -> memref<6272xf32, #tpu.memory_space<hbm>>
    %dma_wait3A_18 = tpu.memref_slice %arg2[%add3A_7] : memref<200704xf32, #tpu.memory_space<hbm>> -> memref<6272xf32, #tpu.memory_space<hbm>>
    tpu.wait_dma2 semaphore(%arg10 : memref<!tpu.dma_semaphore, #tpu.memory_space<semaphore_mem>>) src(%dma_wait3A_18 : memref<6272xf32, #tpu.memory_space<hbm>>) dst(%arg5 : memref<6272xf32, #tpu.memory_space<vmem>>)
    %scan3A_19 = arith.constant 0 : i32
    %scan3A_20 = arith.constant 49 : i32
    %scan3A_21 = arith.addi %scan3A_19, %scan3A_20 : i32
    %scan3A_22 = arith.constant 1 : i32
    %scan3A_23:8 = scf.for %scan3A_50 = %scan3A_19 to %scan3A_21 step %scan3A_22 iter_args(%scan3A_51 = %scan3A_15#0, %scan3A_52 = %scan3A_15#1, %scan3A_53 = %scan3A_15#2, %scan3A_54 = %scan3A_15#3, %scan3A_55 = %scan3A_15#4, %scan3A_56 = %scan3A_15#5, %scan3A_57 = %scan3A_15#6, %scan3A_58 = %scan3A_15#7) -> (vector<16xf32>, vector<16xf32>, vector<16xf32>, vector<16xf32>, vector<16xf32>, vector<16xf32>, vector<16xf32>, vector<16xf32>)  : i32 {
      %mul3A_59 = arith.constant 128 : i32
      %mul3A_60 = arith.muli %scan3A_50, %mul3A_59 : i32
      %add3A_61 = arith.constant 0 : i32
      %add3A_62 = arith.addi %mul3A_60, %add3A_61 : i32
      %get3A = arith.index_cast %add3A_62 : i32 to index
      %get3A_63 = tpu.vector_load %arg5[%get3A] {strides = array<i32>} : memref<6272xf32, #tpu.memory_space<vmem>>, vector<16xf32>,
      %get3A_64 = vector.shape_cast %get3A_63 : vector<16xf32> to vector<16xf32>
      %abs3A = math.absf %get3A_64 : vector<16xf32>
      %lt3A = arith.constant 2.000000e-01 : f32
      %lt3A_65 = vector.broadcast %lt3A : f32 to vector<16xf32>
      %lt3A_66 = arith.cmpf olt, %abs3A, %lt3A_65 : vector<16xf32>
      %jit3A = arith.constant 0.000000e+00 : f32
      %broadcast_in_dim3A_67 = vector.broadcast %jit3A : f32 to vector<16xf32>
      %select_n3A = arith.select %lt3A_66, %abs3A, %broadcast_in_dim3A_67 : vector<16xi1>, vector<16xf32>
      %add3A_68 = arith.addf %scan3A_51, %select_n3A : vector<16xf32>
      %add3A_69 = arith.constant 16 : i32
      %add3A_70 = arith.addi %mul3A_60, %add3A_69 : i32
      %get3A_71 = arith.index_cast %add3A_70 : i32 to index
      %get3A_72 = tpu.vector_load %arg5[%get3A_71] {strides = array<i32>} : memref<6272xf32, #tpu.memory_space<vmem>>, vector<16xf32>,
      %get3A_73 = vector.shape_cast %get3A_72 : vector<16xf32> to vector<16xf32>
      %abs3A_74 = math.absf %get3A_73 : vector<16xf32>
      %lt3A_75 = arith.constant 2.000000e-01 : f32
      %lt3A_76 = vector.broadcast %lt3A_75 : f32 to vector<16xf32>
      %lt3A_77 = arith.cmpf olt, %abs3A_74, %lt3A_76 : vector<16xf32>
      %jit3A_78 = arith.constant 0.000000e+00 : f32
      %broadcast_in_dim3A_79 = vector.broadcast %jit3A_78 : f32 to vector<16xf32>
      %select_n3A_80 = arith.select %lt3A_77, %abs3A_74, %broadcast_in_dim3A_79 : vector<16xi1>, vector<16xf32>
      %add3A_81 = arith.addf %scan3A_52, %select_n3A_80 : vector<16xf32>
      %add3A_82 = arith.constant 32 : i32
      %add3A_83 = arith.addi %mul3A_60, %add3A_82 : i32
      %get3A_84 = arith.index_cast %add3A_83 : i32 to index
      %get3A_85 = tpu.vector_load %arg5[%get3A_84] {strides = array<i32>} : memref<6272xf32, #tpu.memory_space<vmem>>, vector<16xf32>,
      %get3A_86 = vector.shape_cast %get3A_85 : vector<16xf32> to vector<16xf32>
      %abs3A_87 = math.absf %get3A_86 : vector<16xf32>
      %lt3A_88 = arith.constant 2.000000e-01 : f32
      %lt3A_89 = vector.broadcast %lt3A_88 : f32 to vector<16xf32>
      %lt3A_90 = arith.cmpf olt, %abs3A_87, %lt3A_89 : vector<16xf32>
      %jit3A_91 = arith.constant 0.000000e+00 : f32
      %broadcast_in_dim3A_92 = vector.broadcast %jit3A_91 : f32 to vector<16xf32>
      %select_n3A_93 = arith.select %lt3A_90, %abs3A_87, %broadcast_in_dim3A_92 : vector<16xi1>, vector<16xf32>
      %add3A_94 = arith.addf %scan3A_53, %select_n3A_93 : vector<16xf32>
      %add3A_95 = arith.constant 48 : i32
      %add3A_96 = arith.addi %mul3A_60, %add3A_95 : i32
      %get3A_97 = arith.index_cast %add3A_96 : i32 to index
      %get3A_98 = tpu.vector_load %arg5[%get3A_97] {strides = array<i32>} : memref<6272xf32, #tpu.memory_space<vmem>>, vector<16xf32>,
      %get3A_99 = vector.shape_cast %get3A_98 : vector<16xf32> to vector<16xf32>
      %abs3A_100 = math.absf %get3A_99 : vector<16xf32>
      %lt3A_101 = arith.constant 2.000000e-01 : f32
      %lt3A_102 = vector.broadcast %lt3A_101 : f32 to vector<16xf32>
      %lt3A_103 = arith.cmpf olt, %abs3A_100, %lt3A_102 : vector<16xf32>
      %jit3A_104 = arith.constant 0.000000e+00 : f32
      %broadcast_in_dim3A_105 = vector.broadcast %jit3A_104 : f32 to vector<16xf32>
      %select_n3A_106 = arith.select %lt3A_103, %abs3A_100, %broadcast_in_dim3A_105 : vector<16xi1>, vector<16xf32>
      %add3A_107 = arith.addf %scan3A_54, %select_n3A_106 : vector<16xf32>
      %add3A_108 = arith.constant 64 : i32
      %add3A_109 = arith.addi %mul3A_60, %add3A_108 : i32
      %get3A_110 = arith.index_cast %add3A_109 : i32 to index
      %get3A_111 = tpu.vector_load %arg5[%get3A_110] {strides = array<i32>} : memref<6272xf32, #tpu.memory_space<vmem>>, vector<16xf32>,
      %get3A_112 = vector.shape_cast %get3A_111 : vector<16xf32> to vector<16xf32>
      %abs3A_113 = math.absf %get3A_112 : vector<16xf32>
      %lt3A_114 = arith.constant 2.000000e-01 : f32
      %lt3A_115 = vector.broadcast %lt3A_114 : f32 to vector<16xf32>
      %lt3A_116 = arith.cmpf olt, %abs3A_113, %lt3A_115 : vector<16xf32>
      %jit3A_117 = arith.constant 0.000000e+00 : f32
      %broadcast_in_dim3A_118 = vector.broadcast %jit3A_117 : f32 to vector<16xf32>
      %select_n3A_119 = arith.select %lt3A_116, %abs3A_113, %broadcast_in_dim3A_118 : vector<16xi1>, vector<16xf32>
      %add3A_120 = arith.addf %scan3A_55, %select_n3A_119 : vector<16xf32>
      %add3A_121 = arith.constant 80 : i32
      %add3A_122 = arith.addi %mul3A_60, %add3A_121 : i32
      %get3A_123 = arith.index_cast %add3A_122 : i32 to index
      %get3A_124 = tpu.vector_load %arg5[%get3A_123] {strides = array<i32>} : memref<6272xf32, #tpu.memory_space<vmem>>, vector<16xf32>,
      %get3A_125 = vector.shape_cast %get3A_124 : vector<16xf32> to vector<16xf32>
      %abs3A_126 = math.absf %get3A_125 : vector<16xf32>
      %lt3A_127 = arith.constant 2.000000e-01 : f32
      %lt3A_128 = vector.broadcast %lt3A_127 : f32 to vector<16xf32>
      %lt3A_129 = arith.cmpf olt, %abs3A_126, %lt3A_128 : vector<16xf32>
      %jit3A_130 = arith.constant 0.000000e+00 : f32
      %broadcast_in_dim3A_131 = vector.broadcast %jit3A_130 : f32 to vector<16xf32>
      %select_n3A_132 = arith.select %lt3A_129, %abs3A_126, %broadcast_in_dim3A_131 : vector<16xi1>, vector<16xf32>
      %add3A_133 = arith.addf %scan3A_56, %select_n3A_132 : vector<16xf32>
      %add3A_134 = arith.constant 96 : i32
      %add3A_135 = arith.addi %mul3A_60, %add3A_134 : i32
      %get3A_136 = arith.index_cast %add3A_135 : i32 to index
      %get3A_137 = tpu.vector_load %arg5[%get3A_136] {strides = array<i32>} : memref<6272xf32, #tpu.memory_space<vmem>>, vector<16xf32>,
      %get3A_138 = vector.shape_cast %get3A_137 : vector<16xf32> to vector<16xf32>
      %abs3A_139 = math.absf %get3A_138 : vector<16xf32>
      %lt3A_140 = arith.constant 2.000000e-01 : f32
      %lt3A_141 = vector.broadcast %lt3A_140 : f32 to vector<16xf32>
      %lt3A_142 = arith.cmpf olt, %abs3A_139, %lt3A_141 : vector<16xf32>
      %jit3A_143 = arith.constant 0.000000e+00 : f32
      %broadcast_in_dim3A_144 = vector.broadcast %jit3A_143 : f32 to vector<16xf32>
      %select_n3A_145 = arith.select %lt3A_142, %abs3A_139, %broadcast_in_dim3A_144 : vector<16xi1>, vector<16xf32>
      %add3A_146 = arith.addf %scan3A_57, %select_n3A_145 : vector<16xf32>
      %add3A_147 = arith.constant 112 : i32
      %add3A_148 = arith.addi %mul3A_60, %add3A_147 : i32
      %get3A_149 = arith.index_cast %add3A_148 : i32 to index
      %get3A_150 = tpu.vector_load %arg5[%get3A_149] {strides = array<i32>} : memref<6272xf32, #tpu.memory_space<vmem>>, vector<16xf32>,
      %get3A_151 = vector.shape_cast %get3A_150 : vector<16xf32> to vector<16xf32>
      %abs3A_152 = math.absf %get3A_151 : vector<16xf32>
      %lt3A_153 = arith.constant 2.000000e-01 : f32
      %lt3A_154 = vector.broadcast %lt3A_153 : f32 to vector<16xf32>
      %lt3A_155 = arith.cmpf olt, %abs3A_152, %lt3A_154 : vector<16xf32>
      %jit3A_156 = arith.constant 0.000000e+00 : f32
      %broadcast_in_dim3A_157 = vector.broadcast %jit3A_156 : f32 to vector<16xf32>
      %select_n3A_158 = arith.select %lt3A_155, %abs3A_152, %broadcast_in_dim3A_157 : vector<16xi1>, vector<16xf32>
      %add3A_159 = arith.addf %scan3A_58, %select_n3A_158 : vector<16xf32>
      scf.yield %add3A_68, %add3A_81, %add3A_94, %add3A_107, %add3A_120, %add3A_133, %add3A_146, %add3A_159 : vector<16xf32>, vector<16xf32>, vector<16xf32>, vector<16xf32>, vector<16xf32>, vector<16xf32>, vector<16xf32>, vector<16xf32>
    }
    %scan3A_24 = arith.constant 49 : i32
    %add3A_25 = arith.addf %broadcast_in_dim3A_10, %scan3A_23#0 : vector<16xf32>
    %add3A_26 = arith.addf %add3A_25, %scan3A_23#1 : vector<16xf32>
    %add3A_27 = arith.addf %add3A_26, %scan3A_23#2 : vector<16xf32>
    %add3A_28 = arith.addf %add3A_27, %scan3A_23#3 : vector<16xf32>
    %add3A_29 = arith.addf %add3A_28, %scan3A_23#4 : vector<16xf32>
    %add3A_30 = arith.addf %add3A_29, %scan3A_23#5 : vector<16xf32>
    %add3A_31 = arith.addf %add3A_30, %scan3A_23#6 : vector<16xf32>
    %add3A_32 = arith.addf %add3A_31, %scan3A_23#7 : vector<16xf32>
    %barrier3A = arith.constant 0 : index
    tpu.barrier barrier_id(%barrier3A)
    %broadcast_in_dim3A_33 = arith.constant 0 : i32
    %broadcast_in_dim3A_34 = vector.broadcast %broadcast_in_dim3A_33 : i32 to vector<1xi32>
    %swap3A = arith.constant 0 : index
    %swap3A_35 = tpu.vector_load %arg7[%swap3A] {strides = array<i32>} : memref<1xi32, #tpu.memory_space<vmem>>, vector<1xi32>,
    %swap3A_36 = vector.shape_cast %swap3A_35 : vector<1xi32> to vector<1xi32>
    %swap3A_37 = vector.shape_cast %broadcast_in_dim3A_34 : vector<1xi32> to vector<1xi32>
    tpu.vector_store %arg7[%swap3A], %swap3A_37 {strides = array<i32>} : memref<1xi32, #tpu.memory_space<vmem>>, vector<1xi32>,
    %swap3A_38 = arith.constant 0 : i32
    %swap3A_39 = arith.index_cast %swap3A_38 : i32 to index
    %swap3A_40 = arith.constant 0 : index
    %swap3A_41 = tpu.vector_load %arg6[%swap3A_39, %swap3A_40] {strides = array<i32>} : memref<1x16xf32, #tpu.memory_space<vmem>>, vector<1x16xf32>,
    %swap3A_42 = vector.shape_cast %swap3A_41 : vector<1x16xf32> to vector<16xf32>
    %swap3A_43 = vector.shape_cast %add3A_32 : vector<16xf32> to vector<1x16xf32>
    tpu.vector_store %arg6[%swap3A_39, %swap3A_40], %swap3A_43 {strides = array<i32>} : memref<1x16xf32, #tpu.memory_space<vmem>>, vector<1x16xf32>,
    "tpu.region"() ({
      %run_scoped3A = tpu.sem_alloc : memref<!tpu.dma_semaphore, #tpu.memory_space<semaphore_mem>>
      %dma_start3A_50 = arith.constant 0 : i32
      %dma_start3A_51 = arith.constant 0 : i32
      %dma_start3A_52 = tpu.memref_slice %arg8[%dma_start3A_50, %dma_start3A_51] : memref<1x16xf32, #tpu.memory_space<vmem_shared>> -> memref<1x16xf32, #tpu.memory_space<vmem_shared>>
      tpu.enqueue_indirect_dma source(%arg6 : memref<1x16xf32, #tpu.memory_space<vmem>>) target(%dma_start3A_52 : memref<1x16xf32, #tpu.memory_space<vmem_shared>>) offsets(%arg7 : memref<1xi32, #tpu.memory_space<vmem>>) semaphore(%run_scoped3A : memref<!tpu.dma_semaphore, #tpu.memory_space<semaphore_mem>>) {add = true}
      %dma_wait3A_53 = arith.constant 0 : i32
      %dma_wait3A_54 = arith.constant 0 : i32
      %dma_wait3A_55 = tpu.memref_slice %arg8[%dma_wait3A_53, %dma_wait3A_54] : memref<1x16xf32, #tpu.memory_space<vmem_shared>> -> memref<1x16xf32, #tpu.memory_space<vmem_shared>>
      tpu.wait_indirect_dma semaphore(%run_scoped3A : memref<!tpu.dma_semaphore, #tpu.memory_space<semaphore_mem>>) src(%arg6 : memref<1x16xf32, #tpu.memory_space<vmem>>) dst(%dma_wait3A_55 : memref<1x16xf32, #tpu.memory_space<vmem_shared>>)
      tpu.yield
    }) : () -> ()
    %barrier3A_44 = arith.constant 0 : index
    tpu.barrier barrier_id(%barrier3A_44)
    %eq3A_45 = arith.constant 0 : i32
    %eq3A_46 = arith.cmpi eq, %arg1, %eq3A_45 : i32
    %convert_element_type3A_47 = arith.extui %eq3A_46 : i1 to i32
    %cond3A_48 = arith.constant 0 : i32
    %cond3A_49 = arith.cmpi ne, %convert_element_type3A_47, %cond3A_48 : i32
    scf.if %cond3A_49 {
      "tpu.region"() ({
        %run_scoped3A_110 = tpu.sem_alloc : memref<!tpu.dma_semaphore, #tpu.memory_space<semaphore_mem>>
        tpu.enqueue_dma source(%arg8 : memref<1x16xf32, #tpu.memory_space<vmem_shared>>) target(%arg6 : memref<1x16xf32, #tpu.memory_space<vmem>>) target_semaphore(%run_scoped3A_110 : memref<!tpu.dma_semaphore, #tpu.memory_space<semaphore_mem>>)
        tpu.wait_dma2 semaphore(%run_scoped3A_110 : memref<!tpu.dma_semaphore, #tpu.memory_space<semaphore_mem>>) src(%arg8 : memref<1x16xf32, #tpu.memory_space<vmem_shared>>) dst(%arg6 : memref<1x16xf32, #tpu.memory_space<vmem>>)
        tpu.yield
      }) : () -> ()
      %get3A = arith.constant 0 : i32
      %get3A_50 = arith.index_cast %get3A : i32 to index
      %get3A_51 = arith.constant 0 : index
      %get3A_52 = tpu.vector_load %arg6[%get3A_50, %get3A_51] {strides = array<i32>} : memref<1x16xf32, #tpu.memory_space<vmem>>, vector<1x16xf32>,
      %get3A_53 = vector.shape_cast %get3A_52 : vector<1x16xf32> to vector<16xf32>
      %slice3A = vector.extract_strided_slice %get3A_53 {offsets = [0], sizes = [1], strides = [1]} : vector<16xf32> to vector<1xf32>
      %squeeze3A = vector.extract %slice3A[0] : f32 from vector<1xf32>
      %add3A_54 = arith.constant 0.000000e+00 : f32
      %add3A_55 = arith.addf %add3A_54, %squeeze3A : f32
      %slice3A_56 = vector.extract_strided_slice %get3A_53 {offsets = [1], sizes = [1], strides = [1]} : vector<16xf32> to vector<1xf32>
      %squeeze3A_57 = vector.extract %slice3A_56[0] : f32 from vector<1xf32>
      %add3A_58 = arith.addf %add3A_55, %squeeze3A_57 : f32
      %slice3A_59 = vector.extract_strided_slice %get3A_53 {offsets = [2], sizes = [1], strides = [1]} : vector<16xf32> to vector<1xf32>
      %squeeze3A_60 = vector.extract %slice3A_59[0] : f32 from vector<1xf32>
      %add3A_61 = arith.addf %add3A_58, %squeeze3A_60 : f32
      %slice3A_62 = vector.extract_strided_slice %get3A_53 {offsets = [3], sizes = [1], strides = [1]} : vector<16xf32> to vector<1xf32>
      %squeeze3A_63 = vector.extract %slice3A_62[0] : f32 from vector<1xf32>
      %add3A_64 = arith.addf %add3A_61, %squeeze3A_63 : f32
      %slice3A_65 = vector.extract_strided_slice %get3A_53 {offsets = [4], sizes = [1], strides = [1]} : vector<16xf32> to vector<1xf32>
      %squeeze3A_66 = vector.extract %slice3A_65[0] : f32 from vector<1xf32>
      %add3A_67 = arith.addf %add3A_64, %squeeze3A_66 : f32
      %slice3A_68 = vector.extract_strided_slice %get3A_53 {offsets = [5], sizes = [1], strides = [1]} : vector<16xf32> to vector<1xf32>
      %squeeze3A_69 = vector.extract %slice3A_68[0] : f32 from vector<1xf32>
      %add3A_70 = arith.addf %add3A_67, %squeeze3A_69 : f32
      %slice3A_71 = vector.extract_strided_slice %get3A_53 {offsets = [6], sizes = [1], strides = [1]} : vector<16xf32> to vector<1xf32>
      %squeeze3A_72 = vector.extract %slice3A_71[0] : f32 from vector<1xf32>
      %add3A_73 = arith.addf %add3A_70, %squeeze3A_72 : f32
      %slice3A_74 = vector.extract_strided_slice %get3A_53 {offsets = [7], sizes = [1], strides = [1]} : vector<16xf32> to vector<1xf32>
      %squeeze3A_75 = vector.extract %slice3A_74[0] : f32 from vector<1xf32>
      %add3A_76 = arith.addf %add3A_73, %squeeze3A_75 : f32
      %slice3A_77 = vector.extract_strided_slice %get3A_53 {offsets = [8], sizes = [1], strides = [1]} : vector<16xf32> to vector<1xf32>
      %squeeze3A_78 = vector.extract %slice3A_77[0] : f32 from vector<1xf32>
      %add3A_79 = arith.addf %add3A_76, %squeeze3A_78 : f32
      %slice3A_80 = vector.extract_strided_slice %get3A_53 {offsets = [9], sizes = [1], strides = [1]} : vector<16xf32> to vector<1xf32>
      %squeeze3A_81 = vector.extract %slice3A_80[0] : f32 from vector<1xf32>
      %add3A_82 = arith.addf %add3A_79, %squeeze3A_81 : f32
      %slice3A_83 = vector.extract_strided_slice %get3A_53 {offsets = [10], sizes = [1], strides = [1]} : vector<16xf32> to vector<1xf32>
      %squeeze3A_84 = vector.extract %slice3A_83[0] : f32 from vector<1xf32>
      %add3A_85 = arith.addf %add3A_82, %squeeze3A_84 : f32
      %slice3A_86 = vector.extract_strided_slice %get3A_53 {offsets = [11], sizes = [1], strides = [1]} : vector<16xf32> to vector<1xf32>
      %squeeze3A_87 = vector.extract %slice3A_86[0] : f32 from vector<1xf32>
      %add3A_88 = arith.addf %add3A_85, %squeeze3A_87 : f32
      %slice3A_89 = vector.extract_strided_slice %get3A_53 {offsets = [12], sizes = [1], strides = [1]} : vector<16xf32> to vector<1xf32>
      %squeeze3A_90 = vector.extract %slice3A_89[0] : f32 from vector<1xf32>
      %add3A_91 = arith.addf %add3A_88, %squeeze3A_90 : f32
      %slice3A_92 = vector.extract_strided_slice %get3A_53 {offsets = [13], sizes = [1], strides = [1]} : vector<16xf32> to vector<1xf32>
      %squeeze3A_93 = vector.extract %slice3A_92[0] : f32 from vector<1xf32>
      %add3A_94 = arith.addf %add3A_91, %squeeze3A_93 : f32
      %slice3A_95 = vector.extract_strided_slice %get3A_53 {offsets = [14], sizes = [1], strides = [1]} : vector<16xf32> to vector<1xf32>
      %squeeze3A_96 = vector.extract %slice3A_95[0] : f32 from vector<1xf32>
      %add3A_97 = arith.addf %add3A_94, %squeeze3A_96 : f32
      %slice3A_98 = vector.extract_strided_slice %get3A_53 {offsets = [15], sizes = [1], strides = [1]} : vector<16xf32> to vector<1xf32>
      %squeeze3A_99 = vector.extract %slice3A_98[0] : f32 from vector<1xf32>
      %add3A_100 = arith.addf %add3A_97, %squeeze3A_99 : f32
      %mul3A_101 = arith.constant 4.98246163E-6 : f32
      %mul3A_102 = arith.mulf %add3A_100, %mul3A_101 : f32
      %broadcast_in_dim3A_103 = vector.broadcast %mul3A_102 : f32 to vector<16xf32>
      %swap3A_104 = arith.constant 0 : i32
      %swap3A_105 = arith.index_cast %swap3A_104 : i32 to index
      %swap3A_106 = arith.constant 0 : index
      %swap3A_107 = tpu.vector_load %arg6[%swap3A_105, %swap3A_106] {strides = array<i32>} : memref<1x16xf32, #tpu.memory_space<vmem>>, vector<1x16xf32>,
      %swap3A_108 = vector.shape_cast %swap3A_107 : vector<1x16xf32> to vector<16xf32>
      %swap3A_109 = vector.shape_cast %broadcast_in_dim3A_103 : vector<16xf32> to vector<1x16xf32>
      tpu.vector_store %arg6[%swap3A_105, %swap3A_106], %swap3A_109 {strides = array<i32>} : memref<1x16xf32, #tpu.memory_space<vmem>>, vector<1x16xf32>,
      %run_scoped3A = arith.constant 0 : i32
      "tpu.region"() ({
        %run_scoped3A_110 = tpu.sem_alloc : memref<!tpu.dma_semaphore, #tpu.memory_space<semaphore_mem>>
        %dma_start3A_111 = arith.constant 0 : i32
        %dma_start3A_112 = tpu.memref_slice %arg6[%run_scoped3A, %dma_start3A_111] : memref<1x16xf32, #tpu.memory_space<vmem>> -> memref<1x16xf32, #tpu.memory_space<vmem>>
        %dma_start3A_113 = tpu.memref_squeeze %dma_start3A_112 : memref<1x16xf32, #tpu.memory_space<vmem>> -> memref<16xf32, #tpu.memory_space<vmem>>
        %dma_start3A_114 = arith.constant 0 : i32
        %dma_start3A_115 = tpu.memref_slice %arg3[%arg0, %dma_start3A_114] : memref<1x16xf32, #tpu.memory_space<hbm>> -> memref<1x16xf32, #tpu.memory_space<hbm>>
        %dma_start3A_116 = tpu.memref_squeeze %dma_start3A_115 : memref<1x16xf32, #tpu.memory_space<hbm>> -> memref<16xf32, #tpu.memory_space<hbm>>
        %dma_start3A_117 = arith.constant 0 : i32
        %dma_start3A_118 = tpu.memref_slice %arg3[%arg0, %dma_start3A_117] : memref<1x16xf32, #tpu.memory_space<hbm>> -> memref<1x16xf32, #tpu.memory_space<hbm>>
        %dma_start3A_119 = tpu.memref_squeeze %dma_start3A_118 : memref<1x16xf32, #tpu.memory_space<hbm>> -> memref<16xf32, #tpu.memory_space<hbm>>
        %dma_start3A_120 = arith.constant 0 : i32
        %dma_start3A_121 = tpu.memref_slice %arg6[%run_scoped3A, %dma_start3A_120] : memref<1x16xf32, #tpu.memory_space<vmem>> -> memref<1x16xf32, #tpu.memory_space<vmem>>
        %dma_start3A_122 = tpu.memref_squeeze %dma_start3A_121 : memref<1x16xf32, #tpu.memory_space<vmem>> -> memref<16xf32, #tpu.memory_space<vmem>>
        tpu.enqueue_dma source(%dma_start3A_122 : memref<16xf32, #tpu.memory_space<vmem>>) target(%dma_start3A_119 : memref<16xf32, #tpu.memory_space<hbm>>) target_semaphore(%run_scoped3A_110 : memref<!tpu.dma_semaphore, #tpu.memory_space<semaphore_mem>>)
        %dma_wait3A_123 = arith.constant 0 : i32
        %dma_wait3A_124 = tpu.memref_slice %arg6[%run_scoped3A, %dma_wait3A_123] : memref<1x16xf32, #tpu.memory_space<vmem>> -> memref<1x16xf32, #tpu.memory_space<vmem>>
        %dma_wait3A_125 = tpu.memref_squeeze %dma_wait3A_124 : memref<1x16xf32, #tpu.memory_space<vmem>> -> memref<16xf32, #tpu.memory_space<vmem>>
        %dma_wait3A_126 = arith.constant 0 : i32
        %dma_wait3A_127 = tpu.memref_slice %arg3[%arg0, %dma_wait3A_126] : memref<1x16xf32, #tpu.memory_space<hbm>> -> memref<1x16xf32, #tpu.memory_space<hbm>>
        %dma_wait3A_128 = tpu.memref_squeeze %dma_wait3A_127 : memref<1x16xf32, #tpu.memory_space<hbm>> -> memref<16xf32, #tpu.memory_space<hbm>>
        %dma_wait3A_129 = arith.constant 0 : i32
        %dma_wait3A_130 = tpu.memref_slice %arg3[%arg0, %dma_wait3A_129] : memref<1x16xf32, #tpu.memory_space<hbm>> -> memref<1x16xf32, #tpu.memory_space<hbm>>
        %dma_wait3A_131 = tpu.memref_squeeze %dma_wait3A_130 : memref<1x16xf32, #tpu.memory_space<hbm>> -> memref<16xf32, #tpu.memory_space<hbm>>
        %dma_wait3A_132 = arith.constant 0 : i32
        %dma_wait3A_133 = tpu.memref_slice %arg6[%run_scoped3A, %dma_wait3A_132] : memref<1x16xf32, #tpu.memory_space<vmem>> -> memref<1x16xf32, #tpu.memory_space<vmem>>
        %dma_wait3A_134 = tpu.memref_squeeze %dma_wait3A_133 : memref<1x16xf32, #tpu.memory_space<vmem>> -> memref<16xf32, #tpu.memory_space<vmem>>
        tpu.wait_dma2 semaphore(%run_scoped3A_110 : memref<!tpu.dma_semaphore, #tpu.memory_space<semaphore_mem>>) src(%dma_wait3A_134 : memref<16xf32, #tpu.memory_space<vmem>>) dst(%dma_wait3A_131 : memref<16xf32, #tpu.memory_space<hbm>>)
        tpu.yield
      }) : () -> ()
    } else {
    }
    return
  }
}

</mosaic_0001>

<sc_bundles>
// kernel: _sc_masked_mean.3.cloned.1.call-start
scs
__scs_entry_jumppad:
0x0: {  	(pc) =	sbr.rel $0x88, $3  }
0x1: {  	(tag) =	ssettag $0x0;
	lr =	simm.s32 $0x1  }
0x2: {  	[smem:$0x3FA0] =	sst lr;
	_ =	strace $0xD0000000  }
0x3: {  	_ = 	snop  }
0x4: {  	_ = 	snop  }
0x5: {  	_ = 	snop  }
0x6: {  	_ = 	snop  }
0x7: {  	_ = 	snop  }
__scs_overlays_trampoline_lowered:
0x8: {  	[smem:$0x3FAF] =	sst s0  }
0x9: {  	[smem:$0x3FB0] =	sst s1  }
0xa: {  	[smem:$0x3FB1] =	sst s2  }
0xb: {  	[smem:$0x3FB2] =	sst s3  }
0xc: {  	[smem:$0x3FB3] =	sst s4  }
0xd: {  	[smem:$0x3FB4] =	sst s5  }
0xe: {  	[smem:$0x3FB5] =	sst s6  }
0xf: {  	[smem:$0x3FB6] =	sst s7  }
0x10: {  	[smem:$0x3FB7] =	sst s8  }
0x11: {  	[smem:$0x3FB8] =	sst s9;
	s0 =	simm.s32 @!p0 $0x0  }
0x12: {  	s1 =	sld [smem:$0x3F9E];
	s0 =	simm.s32 @p0 $0x1  }
0x13: {  	[smem:$0x3FB9] =	sst s0;
	s0 =	simm.s32 @!p1 $0x0  }
0x14: {  	s2 =	sld [smem:$0x3F9D];
	s0 =	simm.s32 @p1 $0x1  }
0x15: {  	[smem:$0x3FBA] =	sst s0;
	s0 =	simm.s32 @!p2 $0x0  }
0x16: {  	s3 =	sld [smem:$0x3FDB];
	s0 =	simm.s32 @p2 $0x1  }
0x17: {  	s4 =	simm.s32 $0x1BF5;
	[smem:$0x3FBC] =	sst s0  }
0x18: {  	s0 =	sld [smem:$0x3F9F];
	_ =	swait.ge [sflag:s4], $0x0  }
0x19: {  	s7 =	sld [smem:$0x3FA0]  }
0x1a: {  	s8 =	sadd.s32 $0xFFFFE003, lr  }
0x1b: {  	s9 =	sadd.s32 $0xFFFFFEF7, lr;
	s5 =	simm.s32 $0xFFFFFFFF;
	p2 =	slt.u32 s8, $0xFFFFF086  }
0x1c: {  	p1 =	slt.u32 s9, $0xF7A;
	s5 =	simm.s32 @!p2 $0x0  }
0x1d: {  	s5 =	simm.s32 @p1 $0x1;
	p0 =	seq.s32 s7, s2  }
0x1e: {  	s7 =	smul.u32 @!p0 $0xF7A, s2;
	p2 =	seq.s32 @!p0 s5, $0x0  }
0x1f: {  	s9 =	smul.u32 $0xF7A, s1;
	s8 =	simm.s32 @!p0 $0x1BF5;
	p2 =	por !p2, p0  }
0x20: {  	[sflag:s8] =	ssyncset.s32 @!p0 $0xFFFFF086;
	s6 =	sadd.s32 @!p0 s3, s7;
	s7 =	simm.s32 @!p0 $0x108  }
0x21: {  	s3 =	sadd.s32 s3, s9;
	s6 =	sadd.s32 @!p0 $0x88, s6;
	s7 =	simm.s32 @p2 $0x1082  }
0x22: {  	[simem:s7], [sflag:s8] =	dma.local @!p0 [hbm:s6], $0xF7A  }
0x23: {  	s9 =	sor.u32 $0xD0000000, s2;
	s6 =	simm.s32 $0x108;
	_ =	swait.ge @!p0 [sflag:s8], $0x0  }
0x24: {  	s3 =	sadd.s32 $0x88, s3;
	s6 =	simm.s32 @!p1 $0x1082;
	[sflag:s4] =	ssyncset.s32 $0xFFFFF086  }
0x25: {  	[simem:s6], [sflag:s4] =	dma.local [hbm:s3], $0xF7A  }
0x26: {  	[smem:$0x3FA0] =	sst s1;
	(tag) =	ssettag s2;
	_ =	strace s9  }
0x27: {  	s1 =	sld [smem:$0x3FB0]  }
0x28: {  	s2 =	sld [smem:$0x3FB1]  }
0x29: {  	s4 =	sld [smem:$0x3FB3]  }
0x2a: {  	p0 =	seq.s32 s5, $0x0;
	s5 =	sld [smem:$0x3FB4]  }
0x2b: {  	s6 =	sld [smem:$0x3FB5]  }
0x2c: {  	s7 =	sld [smem:$0x3FB6]  }
0x2d: {  	s3 =	simm.s32 $0x108;
	s8 =	sld [smem:$0x3FB7]  }
0x2e: {  	s3 =	simm.s32 @!p0 $0x1082;
	s9 =	sld [smem:$0x3FB8]  }
0x2f: {  	lr =	sadd.s32 s0, s3;
	s0 =	sld [smem:$0x3FAF]  }
0x30: {  	s3 =	sld [smem:$0x3FB2]  }
0x31: {  	[smem:$0x3FBB] =	sst s10  }
0x32: {  	s10 =	sld [smem:$0x3FB9];
	_ =	sdelay $0x3  }
0x33: {  	p0 =	seq.s32 s10, $0x1;
	s10 =	sld [smem:$0x3FBB];
	_ =	sdelay $0x3  }
0x34: {  	[smem:$0x3FBB] =	sst s10  }
0x35: {  	s10 =	sld [smem:$0x3FBA];
	_ =	sdelay $0x3  }
0x36: {  	p1 =	seq.s32 s10, $0x1;
	s10 =	sld [smem:$0x3FBB];
	_ =	sdelay $0x3  }
0x37: {  	[smem:$0x3FBB] =	sst s10  }
0x38: {  	s10 =	sld [smem:$0x3FBC]  }
0x39: {  	_ = 	snop;
	(pc) =	sbr.ind lr, $3  }
0x3a: {  	_ = 	snop  }
0x3b: {  	_ = 	snop  }
0x3c: {  	p2 =	seq.s32 s10, $0x1;
	s10 =	sld [smem:$0x3FBB]  }
0x3d: {  	_ =	shalt  }
0x3e: {  	_ =	shalt  }
0x3f: {  	_ =	shalt  }
0x40: {  	_ =	shalt  }
0x41: {  	_ =	shalt  }
0x42: {  	_ =	shalt  }
0x43: {  	_ =	shalt  }
0x44: {  	_ =	shalt  }
0x45: {  	_ =	shalt  }
0x46: {  	_ =	shalt  }
0x47: {  	_ =	shalt  }
0x48: {  	_ =	shalt  }
0x49: {  	_ =	shalt  }
0x4a: {  	_ =	shalt  }
0x4b: {  	_ =	shalt  }
0x4c: {  	_ =	shalt  }
0x4d: {  	_ =	shalt  }
0x4e: {  	_ =	shalt  }
0x4f: {  	_ =	shalt  }
0x50: {  	_ =	shalt  }
0x51: {  	_ =	shalt  }
0x52: {  	_ =	shalt  }
0x53: {  	_ =	shalt  }
0x54: {  	_ =	shalt  }
0x55: {  	_ =	shalt  }
0x56: {  	_ =	shalt  }
0x57: {  	_ =	shalt  }
0x58: {  	_ =	shalt  }
0x59: {  	_ =	shalt  }
0x5a: {  	_ =	shalt  }
0x5b: {  	_ =	shalt  }
0x5c: {  	_ =	shalt  }
0x5d: {  	_ =	shalt  }
0x5e: {  	_ =	shalt  }
0x5f: {  	_ =	shalt  }
0x60: {  	_ =	shalt  }
0x61: {  	_ =	shalt  }
0x62: {  	_ =	shalt  }
0x63: {  	_ =	shalt  }
0x64: {  	_ =	shalt  }
0x65: {  	_ =	shalt  }
0x66: {  	_ =	shalt  }
0x67: {  	_ =	shalt  }
0x68: {  	_ =	shalt  }
0x69: {  	_ =	shalt  }
0x6a: {  	_ =	shalt  }
0x6b: {  	_ =	shalt  }
0x6c: {  	_ =	shalt  }
0x6d: {  	_ =	shalt  }
0x6e: {  	_ =	shalt  }
0x6f: {  	_ =	shalt  }
0x70: {  	_ =	shalt  }
0x71: {  	_ =	shalt  }
0x72: {  	_ =	shalt  }
0x73: {  	_ =	shalt  }
0x74: {  	_ =	shalt  }
0x75: {  	_ =	shalt  }
0x76: {  	_ =	shalt  }
0x77: {  	_ =	shalt  }
0x78: {  	_ =	shalt  }
0x79: {  	_ =	shalt  }
0x7a: {  	_ =	shalt  }
0x7b: {  	_ =	shalt  }
0x7c: {  	_ =	shalt  }
0x7d: {  	_ =	shalt  }
0x7e: {  	_ =	shalt  }
0x7f: {  	_ =	shalt  }
0x80: {  	_ =	shalt  }
0x81: {  	_ =	shalt  }
0x82: {  	_ =	shalt  }
0x83: {  	_ =	shalt  }
0x84: {  	_ =	shalt  }
0x85: {  	_ =	shalt  }
0x86: {  	_ =	shalt  }
0x87: {  	_ =	shalt  }
.Lfunc_end0:
.L_simem_size_0:
called_computation_lowered:
.L_overlay_start_0:
0x88: {  	s0 =	sld [smem:$0x3FD9]  }
0x89: {  	s1 =	sld [smem:$0x3FFE];
	_ =	sdelay $0x3  }
0x8a: {  	s0 =	sadd.s32 s1, s0  }
0x8b: {  	[smem:$0x3FC7] =	sst s0  }
0x8c: {  	_ = 	snop  }
0x8d: {  	s0 =	sld [smem:$0x3FC9]  }
0x8e: {  	s17 =	sld [smem:$0x3FD0];
	(tm) =	ssettm $0x1  }
0x8f: {  	s2 =	sld [smem:$0x3FFB];
	_ =	sdelay $0x3  }
0x90: {  	_ =	strace s2  }
0x91: {  	s2 =	sld [smem:$0x3FFC];
	_ =	sdelay $0x3  }
0x92: {  	_ =	strace s2  }
0x93: {  	s2 =	sld [smem:$0x3FFD];
	_ =	sdelay $0x3  }
0x94: {  	_ =	strace s2  }
0x95: {  	_ =	strace $0x8FFFFFFF  }
0x96: {  	s18 =	sld [smem:$0x3FDB];
	_ =	sdelay $0x1  }
0x97: {  	s3 =	simm.s32 $_scs_section_size  }
0x98: {  	s4 =	simm.s32 $_size__tile_overlayer_lowered;
	s5 =	simm.s32 $_tile_overlayer_lowered  }
0x99: {  	s21 =	simm.s32 $0x1BFF;
	s20 =	sshll.u32 s5, $0x1;
	s2 =	sadd.s32 s3, s18  }
0x9a: {  	s6 =	simm.s32 $0x0;
	s19 =	sshll.u32 s4, $0x1;
	s4 =	sadd.s32 s20, s2  }
0x9b: {  	[timem:s6], [sflag:s21] =	dma.local [hbm:s4], s19  }
0x9c: {  	_ =	swait.ge [sflag:s21], s19  }
0x9d: {  	s3 =	ssub.s32 $0x0, s19;
	[sflag:s21] =	ssyncset.done $0x0  }
0x9e: {  	[sflag:s21] =	ssyncadd.s32 s3;
	_ =	sdelay $0x1  }
0x9f: {  	s22 =	simm.s32 $0x1B8B  }
0xa0: {  	_ =	swait.ge [sflag:s22], $0x1  }
0xa1: {  	[sflag:s22] =	ssyncset.done $0x0  }
0xa2: {  	s23 =	simm.s32 $0x1B8E;
	[sflag:s22] =	ssyncadd.s32 $0xFFFFFFFF  }
0xa3: {  	s24 =	simm.s32 $execute0_lowered;
	[smem:$0x3FD2] =	sst s23  }
0xa4: {  	s3 =	sshll.u32 s24, $0x1;
	_ =	strace $0x80000046;
	[dreg:$0x1] =	wrdreg $0xFFFFFFFF  }
0xa5: {  	s25 =	simm.s32 $_size_execute0_lowered;
	s2 =	sadd.s32 s2, s3;
	[dreg:$0x0] =	wrdreg $0x0  }
0xa6: {  	s3 =	sshll.u32 s25, $0x1;
	[dreg:$0x2] =	wrdreg s2  }
0xa7: {  	[dreg:$0x3] =	wrdreg s3  }
0xa8: {  	[dreg:$0x4] =	wrdreg $0xC0  }
0xa9: {  	_ =	task [dreg:s6], $0x5FFFF  }
0xaa: {  	[dreg:$0x1] =	wrdreg $0xFFFFFFFF  }
0xab: {  	[dreg:$0x0] =	wrdreg $0x60  }
0xac: {  	[dreg:$0x2] =	wrdreg s0  }
0xad: {  	[dreg:$0x3] =	wrdreg s17  }
0xae: {  	[dreg:$0x4] =	wrdreg $0x32000  }
0xaf: {  	[dreg:$0x5] =	wrdreg $0x9  }
0xb0: {  	_ =	task.clear_ibuf [dreg:s6], $0x6FFFF;
	_ =	strace $0x90000046  }
0xb1: {  	s26 =	simm.s32 $0x9;
	_ =	strace $0x80000048  }
0xb2: {  	_ =	swait.ge [sflag:s26], $0x1  }
0xb3: {  	[sflag:s26] =	ssyncadd.s32 $0xFFFFFFFF  }
0xb4: {  	_ =	strace $0x90000048  }
0xb5: {  	_ =	sfence  }
0xb6: {  	s28 =	sld [smem:$0x0];
	_ =	sdelay $0x1  }
0xb7: {  	s29 =	srdreg.scid  }
0xb8: {  	s30 =	sshll.u32 s29, $0xD;
	s31 =	sshrl.u32 s29, $0x2  }
0xb9: {  	s1 =	sand.u32 $0x1, s29;
	s2 =	sand.u32 $0x4000, s30;
	s0 =	sadd.s32 s31, s28  }
0xba: {  	s1 =	sor.u32 s2, s1;
	s0 =	sshll.u32 s0, $0x11  }
0xbb: {  	s0 =	sor.u32 s0, s1  }
0xbc: {  	s0 =	sadd.s32 $0x8F2B, s0  }
0xbd: {  	[sflag:s0] =	ssyncadd.remote.s32 $0x1  }
0xbe: {  	_ =	sfence.sel $0xFFFF  }
0xbf: {  	[dreg:$0x0] =	wrdreg $0xFFFFFFFF;
	(pc) =	sbr.abs _section_cstart, $3  }
0xc0: {  	[dreg:$0x1] =	wrdreg $0xFFFFFFFF  }
0xc1: {  	_ =	task.clear_ibuf [dreg:s6], $0x2FFFF;
	_ =	strace $0x9FFFFFFF  }
0xc2: {  	(tm) =	ssettm $0x7FFFFFFF  }
0xc3: {  	_ =	shalt  }
tec
execute0_lowered:
.L_overlay_start_1:
0x0: {  	(tag) =	ssettag $0x1  }
0x1: {  	s3 =	rddreg [dreg:$0x0]  }
0x2: {  	s1 =	rddreg [dreg:$0x1];
	s5 =	stileid.u32  }
0x3: {  	s2 =	rddreg [dreg:$0x2];
	s4 =	simm.s32 $0x0;
	p0 =	sne.s32 s5, $0x0  }
0x4: {  	[smem:$0x7FF] =	sst s4;
	v0 =	vimm.f32 @!p0 $0.0e+00  }
0x5: {  	s0 =	rddreg [dreg:$0x3];
	_ =	strace $0x80000047;
	s6 =	simm.s32 @!p0 $0x3100;
	[tilespmem:$0x3100] =	vst @!p0 v0  }
0x6: {  	[spmem:s2] =	stream.linear.scatter @!p0 [tilespmem:s6], [sflag:$0x3], $0x80, $0x38;
	[tilespmem:$0x3208] =	vst v63  }
0x7: {  	s5 =	smul.u32 $0x3100, s5;
	s6 =	simm.s32 @!p0 $0x3  }
0x8: {  	_ =	swait.ge @!p0 [sflag:s6], $0x80  }
0x9: {  	s5 =	sshrl.u32 s5, $0x3;
	[sflag:s6] =	ssyncset.done @!p0 $0x0  }
0xa: {  	s3 =	sadd.s32 s3, s5;
	[sflag:s6] =	ssyncadd.s32 @!p0 $0xFFFFFF80  }
0xb: {  	[tilespmem:s4], [sflag:$0x1] =	stream.linear.gather [hbm4b:s3+s4], $0x1880, $0x38;
	[tilespmem:$0x3208] =	vst v63  }
0xc: {  	s29 =	simm.s32 $0x1880;
	s30 =	simm.s32 $0x1;
	s3 =	sadd.s32 $0x310, s3  }
0xd: {  	[tilespmem:s29], [sflag:$0x2] =	stream.linear.gather [hbm4b:s3+s4], $0x1880, $0x38;
	[tilespmem:$0x3208] =	vst v63  }
0xe: {  	_ =	swait.ge [sflag:s30], $0x1880  }
0xf: {  	[sflag:s30] =	ssyncset.done $0x0  }
0x10: {  	s31 =	simm.s32 $0x0;
	[sflag:s30] =	ssyncadd.s32 $0xFFFFE780  }
0x11: {  	v0 =	vld [tilespmem:s31+$0x70]  }
0x12: {  	v2 =	vld [tilespmem:s31+$0x0]  }
0x13: {  	v3 =	vld [tilespmem:s31+$0x10]  }
0x14: {  	v4 =	vld [tilespmem:s31+$0x20]  }
0x15: {  	v5 =	vld [tilespmem:s31+$0x30]  }
0x16: {  	v6 =	vld [tilespmem:s31+$0x40];
	_ =	sdelay $0x1  }
0x17: {  	v1 =	vimm.f32 $0.0e+00  }
0x18: {  	v7 =	vimm.f32 $0.0e+00;
	v0 =	vand.u32 $0x7FFFFFFF, v0;
	v2 =	vand.u32 $0x7FFFFFFF, v2  }
0x19: {  	v3 =	vand.u32 $0x7FFFFFFF, v3;
	v12 =	vand.u32 $0x7FFFFFFF, v4;
	v14 =	vand.u32 $0x7FFFFFFF, v5  }
0x1a: {  	v10 =	vld [tilespmem:s31+$0x50];
	v13 =	vand.u32 $0x7FFFFFFF, v6;
	v4 =	vimm.f32 $0.0e+00;
	v5 =	vimm.f32 $0.0e+00  }
0x1b: {  	v11 =	vld [tilespmem:s31+$0x60];
	v6 =	vimm.f32 $0.0e+00;
	vm0 =	vlt.f32 v0, $2.000000030e-01;
	vm1 =	vlt.f32 v2, $2.000000030e-01  }
0x1c: {  	vm2 =	vlt.f32 v3, $2.000000030e-01;
	v0 =	vnsel vm0, $0x0, v0;
	v8 =	vnsel vm1, $0x0, v2  }
0x1d: {  	vm0 =	vlt.f32 v12, $2.000000030e-01;
	v9 =	vnsel vm2, $0x0, v3;
	vm1 =	vlt.f32 v14, $2.000000030e-01  }
0x1e: {  	s3 =	simm.s32 $0x80;
	s4 =	simm.s32 $0x400;
	v3 =	vimm.f32 $0.0e+00;
	v2 =	vimm.f32 $0.0e+00;
	v0 =	vadd.f32 v0, v1  }
.LBB2_1:
0x1f: {  	p1 =	sne.s32 s4, $0x6000;
	v15 =	vld [tilespmem:s3+$0x70];
	v12 =	vnsel vm0, $0x0, v12;
	v14 =	vnsel vm1, $0x0, v14;
	v10 =	vand.u32 $0x7FFFFFFF, v10  }
0x20: {  	vm0 =	vlt.f32 v13, $2.000000030e-01;
	v16 =	vld [tilespmem:s3+$0x0];
	vm1 =	vlt.f32 v10, $2.000000030e-01;
	v11 =	vand.u32 $0x7FFFFFFF, v11  }
0x21: {  	v13 =	vnsel vm0, $0x0, v13;
	v17 =	vld [tilespmem:s3+$0x10];
	v10 =	vnsel vm1, $0x0, v10;
	vm0 =	vlt.f32 v11, $2.000000030e-01  }
0x22: {  	v1 =	vadd.f32 v8, v1;
	v7 =	vadd.f32 v9, v7;
	v18 =	vld [tilespmem:s3+$0x20];
	v8 =	vnsel vm0, $0x0, v11  }
0x23: {  	v3 =	vadd.f32 v12, v3;
	v4 =	vadd.f32 v14, v4;
	v9 =	vld [tilespmem:s3+$0x30]  }
0x24: {  	v5 =	vadd.f32 v13, v5;
	v6 =	vadd.f32 v10, v6;
	v19 =	vld [tilespmem:s3+$0x40];
	v12 =	vand.u32 $0x7FFFFFFF, v15  }
.Ltmp0:
0x25: {  	v2 =	vadd.f32 v8, v2;
	v13 =	vand.u32 $0x7FFFFFFF, v16;
	v10 =	vld [tilespmem:s3+$0x50];
	vm0 =	vlt.f32 v12, $2.000000030e-01;
	(pc) =	sbr.rel @p1 .LBB2_1-.Ltmp0, $4  }
0x26: {  	vm1 =	vlt.f32 v13, $2.000000030e-01;
	v15 =	vand.u32 $0x7FFFFFFF, v17;
	v11 =	vld [tilespmem:s3+$0x60];
	v8 =	vnsel vm0, $0x0, v12  }
0x27: {  	vm2 =	vlt.f32 v15, $2.000000030e-01;
	v12 =	vand.u32 $0x7FFFFFFF, v18;
	v0 =	vadd.f32 v8, v0  }
0x28: {  	v8 =	vnsel vm1, $0x0, v13;
	vm0 =	vlt.f32 v12, $2.000000030e-01;
	v14 =	vand.u32 $0x7FFFFFFF, v9  }
0x29: {  	s3 =	sshra.s32 s4, $0x2;
	s4 =	sadd.s32 $0x200, s4;
	v9 =	vnsel vm2, $0x0, v15;
	vm1 =	vlt.f32 v14, $2.000000030e-01;
	v13 =	vand.u32 $0x7FFFFFFF, v19  }
0x2a: {  	v15 =	vld [tilespmem:s3+$0x70]  }
0x2b: {  	v12 =	vnsel vm0, $0x0, v12;
	v14 =	vnsel vm1, $0x0, v14;
	v10 =	vand.u32 $0x7FFFFFFF, v10;
	v16 =	vld [tilespmem:s3+$0x0]  }
0x2c: {  	vm0 =	vlt.f32 v13, $2.000000030e-01;
	v17 =	vld [tilespmem:s3+$0x10];
	v1 =	vadd.f32 v8, v1;
	v7 =	vadd.f32 v9, v7  }
0x2d: {  	v18 =	vld [tilespmem:s3+$0x20];
	vm1 =	vlt.f32 v10, $2.000000030e-01;
	v11 =	vand.u32 $0x7FFFFFFF, v11;
	v13 =	vnsel vm0, $0x0, v13  }
0x2e: {  	v9 =	vld [tilespmem:s3+$0x30];
	v3 =	vadd.f32 v12, v3;
	v4 =	vadd.f32 v14, v4;
	vm0 =	vlt.f32 v11, $2.000000030e-01  }
0x2f: {  	v14 =	vld [tilespmem:s3+$0x60];
	v10 =	vnsel vm1, $0x0, v10;
	v13 =	vadd.f32 v13, v5;
	v8 =	vnsel vm0, $0x0, v11  }
0x30: {  	s30 =	simm.s32 $0x2;
	v11 =	vld [tilespmem:s3+$0x40];
	v10 =	vadd.f32 v10, v6;
	v8 =	vadd.f32 v8, v2  }
0x31: {  	v6 =	vld [tilespmem:s3+$0x50];
	_ =	swait.ge [sflag:s30], $0x1880;
	v12 =	vand.u32 $0x7FFFFFFF, v15;
	v5 =	vand.u32 $0x7FFFFFFF, v16;
	v2 =	vand.u32 $0x7FFFFFFF, v17  }
0x32: {  	[sflag:s30] =	ssyncset.done $0x0;
	v15 =	vand.u32 $0x7FFFFFFF, v18;
	vm0 =	vlt.f32 v12, $2.000000030e-01;
	vm1 =	vlt.f32 v5, $2.000000030e-01  }
0x33: {  	s31 =	simm.s32 $0x0;
	[sflag:s30] =	ssyncadd.s32 $0xFFFFE780;
	v12 =	vnsel vm0, $0x0, v12;
	v5 =	vnsel vm1, $0x0, v5;
	vm1 =	vlt.f32 v15, $2.000000030e-01  }
0x34: {  	vm0 =	vlt.f32 v2, $2.000000030e-01;
	v0 =	vadd.f32 v12, v0;
	v12 =	vnsel vm1, $0x0, v15;
	v15 =	vld [tilespmem:s31+$0x18F0]  }
0x35: {  	v9 =	vand.u32 $0x7FFFFFFF, v9;
	v14 =	vand.u32 $0x7FFFFFFF, v14;
	v2 =	vnsel vm0, $0x0, v2  }
0x36: {  	vm0 =	vlt.f32 v9, $2.000000030e-01;
	v11 =	vand.u32 $0x7FFFFFFF, v11;
	v6 =	vand.u32 $0x7FFFFFFF, v6  }
0x37: {  	v61 =	vld [tilespmem:s31+$0x1880];
	v9 =	vnsel vm0, $0x0, v9;
	vm0 =	vlt.f32 v11, $2.000000030e-01;
	vm1 =	vlt.f32 v6, $2.000000030e-01  }
0x38: {  	v63 =	vld [tilespmem:s31+$0x1890];
	v7 =	vadd.f32 v2, v7;
	v11 =	vnsel vm0, $0x0, v11;
	v62 =	vnsel vm1, $0x0, v6  }
0x39: {  	v19 =	vld [tilespmem:s31+$0x18A0];
	vm0 =	vlt.f32 v14, $2.000000030e-01;
	v4 =	vadd.f32 v9, v4;
	v9 =	vand.u32 $0x7FFFFFFF, v15  }
0x3a: {  	v6 =	vadd.f32 v5, v1;
	v1 =	vnsel vm0, $0x0, v14;
	v14 =	vld [tilespmem:s31+$0x18B0];
	vm0 =	vlt.f32 v9, $2.000000030e-01  }
0x3b: {  	v5 =	vadd.f32 v12, v3;
	v3 =	vadd.f32 v11, v13;
	v13 =	vld [tilespmem:s31+$0x18C0];
	v9 =	vnsel vm0, $0x0, v9  }
0x3c: {  	v2 =	vadd.f32 v62, v10;
	v0 =	vadd.f32 v9, v0;
	v9 =	vld [tilespmem:s31+$0x18D0]  }
0x3d: {  	v11 =	vand.u32 $0x7FFFFFFF, v63;
	v10 =	vld [tilespmem:s31+$0x18E0];
	v1 =	vadd.f32 v1, v8;
	v8 =	vand.u32 $0x7FFFFFFF, v61  }
0x3e: {  	v12 =	vand.u32 $0x7FFFFFFF, v19;
	vm2 =	vlt.f32 v11, $2.000000030e-01;
	vm1 =	vlt.f32 v8, $2.000000030e-01  }
0x3f: {  	v11 =	vnsel vm2, $0x0, v11;
	v8 =	vnsel vm1, $0x0, v8;
	v14 =	vand.u32 $0x7FFFFFFF, v14  }
0x40: {  	s4 =	simm.s32 $0x400;
	s3 =	simm.s32 $0x80;
	vm0 =	vlt.f32 v12, $2.000000030e-01;
	v13 =	vand.u32 $0x7FFFFFFF, v13;
	vm1 =	vlt.f32 v14, $2.000000030e-01  }
.LBB2_3:
0x41: {  	p1 =	sne.s32 s4, $0x6000;
	v15 =	vld [tilespmem:s3+$0x18F0];
	v12 =	vnsel vm0, $0x0, v12;
	v14 =	vnsel vm1, $0x0, v14;
	v9 =	vand.u32 $0x7FFFFFFF, v9  }
0x42: {  	vm0 =	vlt.f32 v13, $2.000000030e-01;
	v16 =	vld [tilespmem:s3+$0x1880];
	vm1 =	vlt.f32 v9, $2.000000030e-01;
	v10 =	vand.u32 $0x7FFFFFFF, v10  }
0x43: {  	v13 =	vnsel vm0, $0x0, v13;
	v17 =	vld [tilespmem:s3+$0x1890];
	v9 =	vnsel vm1, $0x0, v9;
	vm0 =	vlt.f32 v10, $2.000000030e-01  }
0x44: {  	v6 =	vadd.f32 v8, v6;
	v7 =	vadd.f32 v11, v7;
	v18 =	vld [tilespmem:s3+$0x18A0];
	v8 =	vnsel vm0, $0x0, v10  }
0x45: {  	v5 =	vadd.f32 v12, v5;
	v4 =	vadd.f32 v14, v4;
	v11 =	vld [tilespmem:s3+$0x18B0]  }
0x46: {  	v3 =	vadd.f32 v13, v3;
	v2 =	vadd.f32 v9, v2;
	v19 =	vld [tilespmem:s3+$0x18C0];
	v12 =	vand.u32 $0x7FFFFFFF, v15  }
.Ltmp1:
0x47: {  	v1 =	vadd.f32 v8, v1;
	v13 =	vand.u32 $0x7FFFFFFF, v16;
	v9 =	vld [tilespmem:s3+$0x18D0];
	vm0 =	vlt.f32 v12, $2.000000030e-01;
	(pc) =	sbr.rel @p1 .LBB2_3-.Ltmp1, $4  }
0x48: {  	vm1 =	vlt.f32 v13, $2.000000030e-01;
	v15 =	vand.u32 $0x7FFFFFFF, v17;
	v10 =	vld [tilespmem:s3+$0x18E0];
	v8 =	vnsel vm0, $0x0, v12  }
0x49: {  	vm2 =	vlt.f32 v15, $2.000000030e-01;
	v12 =	vand.u32 $0x7FFFFFFF, v18;
	v0 =	vadd.f32 v8, v0  }
0x4a: {  	v8 =	vnsel vm1, $0x0, v13;
	vm0 =	vlt.f32 v12, $2.000000030e-01;
	v14 =	vand.u32 $0x7FFFFFFF, v11  }
0x4b: {  	s3 =	sshra.s32 s4, $0x2;
	s4 =	sadd.s32 $0x200, s4;
	v11 =	vnsel vm2, $0x0, v15;
	vm1 =	vlt.f32 v14, $2.000000030e-01;
	v13 =	vand.u32 $0x7FFFFFFF, v19  }
0x4c: {  	v15 =	vld [tilespmem:s3+$0x1880]  }
0x4d: {  	v16 =	vld [tilespmem:s3+$0x1890]  }
0x4e: {  	v12 =	vnsel vm0, $0x0, v12;
	v9 =	vand.u32 $0x7FFFFFFF, v9  }
0x4f: {  	v14 =	vnsel vm1, $0x0, v14;
	vm5 =	vlt.f32 v13, $2.000000030e-01;
	v17 =	vld [tilespmem:s3+$0x18A0];
	v6 =	vadd.f32 v8, v6  }
0x50: {  	v7 =	vadd.f32 v11, v7;
	vm6 =	vlt.f32 v9, $2.000000030e-01;
	v10 =	vand.u32 $0x7FFFFFFF, v10  }
0x51: {  	v49 =	vld [tilespmem:s3+$0x18B0];
	v13 =	vnsel vm5, $0x0, v13;
	v5 =	vadd.f32 v12, v5;
	v4 =	vadd.f32 v14, v4  }
0x52: {  	v9 =	vnsel vm6, $0x0, v9;
	v50 =	vand.u32 $0x7FFFFFFF, v15;
	v51 =	vand.u32 $0x7FFFFFFF, v16  }
0x53: {  	v52 =	vld [tilespmem:s3+$0x18C0];
	vm7 =	vlt.f32 v10, $2.000000030e-01;
	vm8 =	vlt.f32 v50, $2.000000030e-01;
	vm9 =	vlt.f32 v51, $2.000000030e-01  }
0x54: {  	v53 =	vand.u32 $0x7FFFFFFF, v17;
	v11 =	vnsel vm8, $0x0, v50;
	v15 =	vnsel vm9, $0x0, v51  }
0x55: {  	v54 =	vld [tilespmem:s3+$0x18D0];
	vm10 =	vlt.f32 v53, $2.000000030e-01;
	v6 =	vadd.f32 v11, v6;
	v7 =	vadd.f32 v15, v7  }
0x56: {  	v3 =	vadd.f32 v13, v3;
	v8 =	vand.u32 $0x7FFFFFFF, v49;
	v55 =	vnsel vm10, $0x0, v53  }
0x57: {  	v56 =	vld [tilespmem:s3+$0x18E0];
	vm11 =	vlt.f32 v8, $2.000000030e-01;
	v5 =	vadd.f32 v55, v5;
	v6 =	vadd.f32 v7, v6  }
0x58: {  	v10 =	vnsel vm7, $0x0, v10;
	v57 =	vand.u32 $0x7FFFFFFF, v52;
	v8 =	vnsel vm11, $0x0, v8  }
0x59: {  	v58 =	vld [tilespmem:s3+$0x18F0];
	vm12 =	vlt.f32 v57, $2.000000030e-01;
	v4 =	vadd.f32 v8, v4;
	v5 =	vadd.f32 v5, v6  }
0x5a: {  	v2 =	vadd.f32 v9, v2;
	v59 =	vand.u32 $0x7FFFFFFF, v54;
	v7 =	vnsel vm12, $0x0, v57  }
0x5b: {  	vm13 =	vlt.f32 v59, $2.000000030e-01;
	v3 =	vadd.f32 v7, v3;
	v4 =	vadd.f32 v4, v5  }
0x5c: {  	v1 =	vadd.f32 v10, v1;
	v60 =	vand.u32 $0x7FFFFFFF, v56;
	v6 =	vnsel vm13, $0x0, v59  }
0x5d: {  	vm14 =	vlt.f32 v60, $2.000000030e-01;
	v2 =	vadd.f32 v6, v2;
	v3 =	vadd.f32 v3, v4  }
0x5e: {  	v61 =	vand.u32 $0x7FFFFFFF, v58;
	v5 =	vnsel vm14, $0x0, v60  }
0x5f: {  	vm15 =	vlt.f32 v61, $2.000000030e-01;
	v1 =	vadd.f32 v5, v1;
	v2 =	vadd.f32 v2, v3  }
0x60: {  	v62 =	vnsel vm15, $0x0, v61  }
0x61: {  	v0 =	vadd.f32 v62, v0;
	v1 =	vadd.f32 v1, v2;
	_ =	sdelay $0x1  }
0x62: {  	[bflag:$0x0] =	sbarrier.arrive $0xFFFF;
	v63 =	vimm.s32 $0x0;
	s31 =	simm.s32 $0x3180;
	v0 =	vadd.f32 v0, v1  }
0x63: {  	[tilespmem:s31+$0x0] =	vst.msk $0x1, v63  }
0x64: {  	s5 =	simm.s32 $0x1;
	s4 =	simm.s32 $0x3100;
	s3 =	simm.s32 $0x3;
	[tilespmem:$0x3100] =	vst v0  }
0x65: {  	[spmem:s2] =	stream.indirect.scatter.add.f32 [tilespmem:s4], [sflag:$0x3], $0x10, s31, s5, $0xb8;
	[tilespmem:$0x3208] =	vst v63  }
0x66: {  	_ =	swait.ge [sflag:s3], $0x10  }
0x67: {  	[sflag:s3] =	ssyncset.done $0x0  }
0x68: {  	[sflag:s3] =	ssyncadd.s32 $0xFFFFFFF0  }
0x69: {  	[bflag:$0x0] =	sbarrier.arrive $0xFFFF  }
0x6a: {  	_ =	sfence.sel @p0 $0x180000  }
0x6b: {  	[bflag:$0x0] =	sbarrier.arrive @p0 $0xFFFF  }
0x6c: {  	_ =	strace @p0 $0x90000047  }
0x6d: {  	[bflag:$0x2] =	sbarrier.arrive @p0 $0xFFFF  }
0x6e: {  	_ =	shalt @p0  }
.LBB2_5:
0x6f: {  	[tilespmem:s4], [sflag:$0x3] =	stream.linear.gather [spmem:s2], $0x80, $0x38;
	[tilespmem:$0x3208] =	vst v63  }
0x70: {  	_ =	swait.ge [sflag:s3], $0x80  }
0x71: {  	[sflag:s3] =	ssyncset.done $0x0  }
0x72: {  	[sflag:s3] =	ssyncadd.s32 $0xFFFFFF80  }
0x73: {  	v0 =	vld [tilespmem:$0x3100];
	_ =	sdelay $0x4  }
0x74: {  	(v2sf) =	vpush v0, $0x0;
	_ =	sdelay $0x1  }
0x75: {  	(v2sf) =	vpush v0, $0x1;
	_ =	sdelay $0x1  }
0x76: {  	(v2sf) =	vpush v0, $0x2;
	_ =	sdelay $0x1  }
0x77: {  	(v2sf) =	vpush v0, $0x3;
	_ =	sdelay $0x1  }
0x78: {  	(v2sf) =	vpush v0, $0x4;
	_ =	sdelay $0x1  }
0x79: {  	(v2sf) =	vpush v0, $0x5;
	_ =	sdelay $0x1  }
0x7a: {  	(v2sf) =	vpush v0, $0x6;
	_ =	sdelay $0x1  }
0x7b: {  	(v2sf) =	vpush v0, $0x7  }
0x7c: {  	s15 =	spop (v2sf)  }
0x7d: {  	(v2sf) =	vpush v0, $0x8;
	s2 =	sadd.f32 $0.0e+00, s15  }
0x7e: {  	s5 =	spop (v2sf)  }
0x7f: {  	(v2sf) =	vpush v0, $0x9;
	s2 =	sadd.f32 s2, s5  }
0x80: {  	s16 =	spop (v2sf)  }
0x81: {  	(v2sf) =	vpush v0, $0xA;
	s2 =	sadd.f32 s2, s16  }
0x82: {  	s17 =	spop (v2sf)  }
0x83: {  	(v2sf) =	vpush v0, $0xB;
	s2 =	sadd.f32 s2, s17  }
0x84: {  	s18 =	spop (v2sf)  }
0x85: {  	(v2sf) =	vpush v0, $0xC;
	s2 =	sadd.f32 s2, s18  }
0x86: {  	s19 =	spop (v2sf)  }
0x87: {  	(v2sf) =	vpush v0, $0xD;
	s2 =	sadd.f32 s2, s19  }
0x88: {  	s20 =	spop (v2sf)  }
0x89: {  	(v2sf) =	vpush v0, $0xE;
	s2 =	sadd.f32 s2, s20  }
0x8a: {  	s21 =	spop (v2sf)  }
0x8b: {  	(v2sf) =	vpush v0, $0xF;
	s2 =	sadd.f32 s2, s21  }
0x8c: {  	s22 =	spop (v2sf)  }
0x8d: {  	s2 =	sadd.f32 s2, s22  }
0x8e: {  	s23 =	spop (v2sf)  }
0x8f: {  	s2 =	sadd.f32 s2, s23  }
0x90: {  	s24 =	spop (v2sf)  }
0x91: {  	s2 =	sadd.f32 s2, s24  }
0x92: {  	s25 =	spop (v2sf)  }
0x93: {  	s2 =	sadd.f32 s2, s25  }
0x94: {  	s26 =	spop (v2sf)  }
0x95: {  	s2 =	sadd.f32 s2, s26  }
0x96: {  	s28 =	spop (v2sf)  }
0x97: {  	s2 =	sadd.f32 s2, s28  }
0x98: {  	s29 =	spop (v2sf)  }
0x99: {  	s2 =	sadd.f32 s2, s29  }
0x9a: {  	s30 =	spop (v2sf)  }
0x9b: {  	s2 =	sadd.f32 s2, s30;
	_ =	sdelay $0x1  }
0x9c: {  	s2 =	smul.f32 $4.982461630e-06, s2;
	_ =	sdelay $0x1  }
0x9d: {  	v63 =	vmov s2  }
0x9e: {  	s31 =	simm.s32 $0x0;
	[tilespmem:$0x3100] =	vst v63  }
0x9f: {  	[hbm4b:s1+s31] =	stream.linear.scatter [tilespmem:s4], [sflag:$0x3], $0x80, $0x38;
	[tilespmem:$0x3208] =	vst v63  }
0xa0: {  	_ =	swait.ge [sflag:s3], $0x80  }
0xa1: {  	[sflag:s3] =	ssyncset.done $0x0  }
0xa2: {  	[sflag:s3] =	ssyncadd.s32 $0xFFFFFF80  }
0xa3: {  	_ =	sfence.sel $0x180000  }
0xa4: {  	[bflag:$0x0] =	sbarrier.arrive $0xFFFF  }
0xa5: {  	_ =	strace $0x90000047  }
0xa6: {  	s0 =	sadd.s32 $0x100000, s0;
	[bflag:$0x2] =	sbarrier.arrive $0xFFFF  }
0xa7: {  	[sflag:s0] =	ssyncadd.tile.s32 $0x1;
	_ =	shalt  }
.Lfunc_end2:
_tile_overlayer_lowered:
.L_overlay_start_2:
0xa8: {  	(tag) =	ssettag $0x2  }
0xa9: {  	s0 =	rddreg [dreg:$0x0];
	s2 =	stileid.u32  }
0xaa: {  	s1 =	rddreg [dreg:$0x1];
	p0 =	sne.s32 s2, $0x0  }
0xab: {  	s3 =	rddreg [dreg:$0x2];
	[bflag:$0x3] =	sbarrier.arrive $0xFFFF;
	s2 =	simm.s32 @!p0 $0x1C03  }
0xac: {  	[timem:s3], [sflag:s2] =	dma.local @!p0 [hbm:s0], s1  }
0xad: {  	s0 =	simm.s32 @!p0 $0x3  }
0xae: {  	_ =	swait.ge @!p0 [sflag:s0], s1  }
0xaf: {  	s1 =	ssub.s32 @!p0 $0x0, s1;
	[sflag:s0] =	ssyncset.done @!p0 $0x0  }
0xb0: {  	[sflag:s0] =	ssyncadd.s32 @!p0 s1  }
0xb1: {  	[bflag:$0x3] =	sbarrier.arrive $0xFFFF  }
0xb2: {  	_ =	shalt  }

</sc_bundles>
